<compile_context>
chip_gen: v7x
topology: tpu7x:2x2x1
jax: 0.10.2.dev20260603
libtpu: 0.0.44.dev20260713+nightly
codegen_flags: <defaults>
</compile_context>

<pallas_src>
import functools

import jax
import jax.numpy as jnp
from jax import lax
from jax.experimental import pallas as pl
from jax.experimental.pallas import tpu as pltpu
from jax.experimental.pallas import tpu_sc as plsc

B, D_IN, HW = 8, 96, 1024
K, D_C = 8192, 32
KT = 1024
NKT = K // KT
NTOK = B * HW
D_PAD = 128
BIG = 1e9


def _vq_body(x_ref, cb_ref, win_ref, bin_ref, wout_ref, bout_ref,
             idx_ref, cbout_ref, loss_ref):
    b = pl.program_id(0)

    xb = x_ref[0]
    z = jax.lax.dot_general(xb, win_ref[...],
                            (((0,), (0,)), ((), ())),
                            preferred_element_type=jnp.float32)
    z = z + bin_ref[...]
    z2 = jnp.sum(z * z, axis=1, keepdims=True)

    cols_f = jax.lax.broadcasted_iota(jnp.int32, (HW, KT), 1).astype(jnp.float32)

    best = jnp.full((HW,), BIG, dtype=jnp.float32)
    best_idx = jnp.zeros((HW,), dtype=jnp.float32)
    for j in range(NKT):
        c = cb_ref[pl.ds(j * KT, KT), :]
        s = jax.lax.dot_general(z, c, (((1,), (1,)), ((), ())),
                                preferred_element_type=jnp.float32)
        e2 = jnp.sum(c * c, axis=1)
        dist = (z2 + e2[None, :]) - 2.0 * s
        dmin = jnp.min(dist, axis=1)
        lidx = jnp.min(jnp.where(dist == dmin[:, None], cols_f, BIG),
                       axis=1) + float(j * KT)
        upd = dmin < best
        best = jnp.where(upd, dmin, best)
        best_idx = jnp.where(upd, lidx, best_idx)

    idx_ref[0, 0, :] = best_idx.astype(jnp.int32)

    @pl.when(b == 0)
    def _():
        cbout_ref[...] = jax.lax.dot_general(
            cb_ref[...], wout_ref[...], (((1,), (0,)), ((), ())),
            preferred_element_type=jnp.float32) + bout_ref[...]

    part = jnp.sum(best).reshape(1, 1)

    @pl.when(b == 0)
    def _():
        loss_ref[...] = jnp.zeros((1, 1), jnp.float32)

    loss_ref[...] = loss_ref[...] + part

    @pl.when(b == B - 1)
    def _():
        loss_ref[...] = loss_ref[...] * (1.0 / (NTOK * D_C))


_NC, _NS = 2, 16
_NW = _NC * _NS
BPW = NTOK // _NW


@functools.cache
def _make_sc_gather():
    mesh = plsc.VectorSubcoreMesh(core_axis_name="c", subcore_axis_name="s")

    @functools.partial(
        pl.kernel,
        mesh=mesh,
        out_type=jax.ShapeDtypeStruct((NTOK, D_PAD), jnp.float32),
        scratch_types=[
            pltpu.VMEM((BPW,), jnp.int32),
            pltpu.VMEM((BPW, D_PAD), jnp.float32),
            pltpu.VMEM_SHARED((K, D_PAD), jnp.float32),
            pltpu.SemaphoreType.DMA,
        ],
    )
    def _sc_gather(idx_hbm, table_hbm, out_hbm, idx_v, rows_v, shared, sem):
        sid = lax.axis_index("s")
        wid = sid * _NC + lax.axis_index("c")
        base = wid * BPW
        rps = K // _NS
        pltpu.sync_copy(table_hbm.at[pl.ds(sid * rps, rps)],
                        shared.at[pl.ds(sid * rps, rps)])
        pltpu.sync_copy(idx_hbm.at[pl.ds(base, BPW)], idx_v)
        plsc.subcore_barrier()
        pltpu.async_copy(shared.at[idx_v], rows_v, sem).wait()
        pltpu.sync_copy(rows_v, out_hbm.at[pl.ds(base, BPW)])

    return _sc_gather


@functools.partial(jax.jit)
def kernel(x, codebook, Win, b_in, Wout, b_out):
    x3 = x.reshape(B, D_IN, HW)
    idx, cbout, loss = pl.pallas_call(
        _vq_body,
        grid=(B,),
        in_specs=[
            pl.BlockSpec((1, D_IN, HW), lambda b: (b, 0, 0)),
            pl.BlockSpec((K, D_C), lambda b: (0, 0)),
            pl.BlockSpec((D_IN, D_C), lambda b: (0, 0)),
            pl.BlockSpec((1, D_C), lambda b: (0, 0)),
            pl.BlockSpec((D_C, D_PAD), lambda b: (0, 0)),
            pl.BlockSpec((1, D_PAD), lambda b: (0, 0)),
        ],
        out_specs=[
            pl.BlockSpec((1, 1, HW), lambda b: (b, 0, 0)),
            pl.BlockSpec((K, D_PAD), lambda b: (0, 0)),
            pl.BlockSpec((1, 1), lambda b: (0, 0)),
        ],
        out_shape=[
            jax.ShapeDtypeStruct((B, 1, HW), jnp.int32),
            jax.ShapeDtypeStruct((K, D_PAD), jnp.float32),
            jax.ShapeDtypeStruct((1, 1), jnp.float32),
        ],
        compiler_params=pltpu.CompilerParams(
            dimension_semantics=("arbitrary",),
        ),
    )(x3, codebook, Win, b_in.reshape(1, D_C),
      jnp.pad(Wout, ((0, 0), (0, D_PAD - D_IN))),
      jnp.pad(b_out, (0, D_PAD - D_IN)).reshape(1, D_PAD))
    flat_idx = idx.reshape(NTOK)
    gathered = _make_sc_gather()(flat_idx, cbout)
    out = gathered[:, :D_IN].reshape(B, HW, D_IN)
    out = out.transpose(0, 2, 1).reshape(B, D_IN, 32, 32)
    return out, idx.reshape(B, HW), loss.reshape(())

# --- scband reference (transcript-rebuilt; emitter-appended) ---
"""Pipeline reference for scband-vector-quantizer-30133490548824 (READ-ONLY COPY).

The authoritative reference and input builder live on the scoring server;
editing this copy changes nothing except your own understanding.
"""

import jax, jax.numpy as jnp
import numpy as np

COMMITMENT = 1.0

def setup_inputs(seed: int = 0) -> dict:
    key = jax.random.key(seed)
    ks = jax.random.split(key, 6)
    x = jax.random.normal(ks[0], (8, 96, 32, 32), dtype=jnp.float32)
    codebook = jax.random.normal(ks[1], (8192, 32), dtype=jnp.float32)
    Win = jax.random.normal(ks[2], (96, 32), dtype=jnp.float32) * 0.05
    b_in = jnp.zeros((32,), dtype=jnp.float32)
    Wout = jax.random.normal(ks[3], (32, 96), dtype=jnp.float32) * 0.05
    b_out = jnp.zeros((96,), dtype=jnp.float32)
    return {"x": x, "codebook": codebook, "Win": Win, "b_in": b_in, "Wout": Wout, "b_out": b_out}

def reference(x, codebook, Win, b_in, Wout, b_out):
    B, D, H, W = x.shape
    # rearrange 'b d h w -> b (h w) d'
    z = jnp.transpose(x.reshape(B, D, H * W), (0, 2, 1))
    # project_in (96 -> 32)
    z = z @ Win + b_in
    # euclidean codebook: nearest code by L2 distance
    z2 = jnp.sum(z * z, axis=-1, keepdims=True)               # [B, HW, 1]
    e2 = jnp.sum(codebook * codebook, axis=-1)                 # [K]
    dist = z2 + e2[None, None, :] - 2.0 * jnp.einsum('btd,kd->btk', z, codebook)
    indices = jnp.argmin(dist, axis=-1)                        # [B, HW] int
    quantized = jnp.take(codebook, indices, axis=0)            # gather [B, HW, code_dim]
    # training path: commitment loss + straight-through estimator
    loss = jnp.mean((jax.lax.stop_gradient(quantized) - z) ** 2) * COMMITMENT
    quantized = z + jax.lax.stop_gradient(quantized - z)
    # project_out (32 -> 96)
    out = quantized @ Wout + b_out
    # rearrange 'b (h w) d -> b d h w'
    out = jnp.transpose(out, (0, 2, 1)).reshape(B, D, H, W)
    return out, indices, loss

if __name__ == "__main__":
    import jax
    _d = setup_inputs()
    print(jax.jit(kernel)(*tuple(_d.values())))

</pallas_src>

<mosaic_0001>
#map = affine_map<(d0, d1) -> (0)>
#map1 = affine_map<(d0, d1) -> (0, 0)>
module attributes {stable_mosaic.version = 14 : i64} {
  func.func @_sc_gather(%arg0: i32, %arg1: i32, %arg2: memref<8192xi32, #tpu.memory_space<hbm>>, %arg3: memref<8192x128xf32, #tpu.memory_space<hbm>>, %arg4: memref<8192x128xf32, #tpu.memory_space<hbm>>, %arg5: memref<256xi32, #tpu.memory_space<vmem>>, %arg6: memref<256x128xf32, #tpu.memory_space<vmem>>, %arg7: memref<8192x128xf32, #tpu.memory_space<vmem_shared>>, %arg8: memref<!tpu.dma_semaphore, #tpu.memory_space<semaphore_mem>>) attributes {dimension_semantics = [#tpu.dimension_semantics<core_parallel>, #tpu.dimension_semantics<subcore_parallel>], iteration_bounds = array<i64: 2, 16>, scalar_prefetch = 0 : i64, scratch_operands = 4 : i64, tpu.core_type = #tpu.core_type<sc_vector_subcore>, window_params = [{transform_indices = #map}, {transform_indices = #map1}, {transform_indices = #map1}]} {
    %mul3A = arith.constant 2 : i32
    %mul3A_0 = arith.muli %arg1, %mul3A : i32
    %add3A = arith.addi %mul3A_0, %arg0 : i32
    %mul3A_1 = arith.constant 256 : i32
    %mul3A_2 = arith.muli %add3A, %mul3A_1 : i32
    %mul3A_3 = arith.constant 512 : i32
    %mul3A_4 = arith.muli %arg1, %mul3A_3 : i32
    %mul3A_5 = arith.constant 512 : i32
    %mul3A_6 = arith.muli %arg1, %mul3A_5 : i32
    "tpu.region"() ({
      %run_scoped3A = tpu.sem_alloc : memref<!tpu.dma_semaphore, #tpu.memory_space<semaphore_mem>>
      %dma_start3A_11 = arith.constant 0 : i32
      %dma_start3A_12 = tpu.memref_slice %arg7[%mul3A_6, %dma_start3A_11] : memref<8192x128xf32, #tpu.memory_space<vmem_shared>> -> memref<512x128xf32, #tpu.memory_space<vmem_shared>>
      %dma_start3A_13 = arith.constant 0 : i32
      %dma_start3A_14 = tpu.memref_slice %arg3[%mul3A_4, %dma_start3A_13] : memref<8192x128xf32, #tpu.memory_space<hbm>> -> memref<512x128xf32, #tpu.memory_space<hbm>>
      tpu.enqueue_dma source(%dma_start3A_14 : memref<512x128xf32, #tpu.memory_space<hbm>>) target(%dma_start3A_12 : memref<512x128xf32, #tpu.memory_space<vmem_shared>>) target_semaphore(%run_scoped3A : memref<!tpu.dma_semaphore, #tpu.memory_space<semaphore_mem>>)
      %dma_wait3A_15 = arith.constant 0 : i32
      %dma_wait3A_16 = tpu.memref_slice %arg7[%mul3A_6, %dma_wait3A_15] : memref<8192x128xf32, #tpu.memory_space<vmem_shared>> -> memref<512x128xf32, #tpu.memory_space<vmem_shared>>
      %dma_wait3A_17 = arith.constant 0 : i32
      %dma_wait3A_18 = tpu.memref_slice %arg3[%mul3A_4, %dma_wait3A_17] : memref<8192x128xf32, #tpu.memory_space<hbm>> -> memref<512x128xf32, #tpu.memory_space<hbm>>
      tpu.wait_dma2 semaphore(%run_scoped3A : memref<!tpu.dma_semaphore, #tpu.memory_space<semaphore_mem>>) src(%dma_wait3A_18 : memref<512x128xf32, #tpu.memory_space<hbm>>) dst(%dma_wait3A_16 : memref<512x128xf32, #tpu.memory_space<vmem_shared>>)
      tpu.yield
    }) : () -> ()
    "tpu.region"() ({
      %run_scoped3A = tpu.sem_alloc : memref<!tpu.dma_semaphore, #tpu.memory_space<semaphore_mem>>
      %dma_start3A_11 = tpu.memref_slice %arg2[%mul3A_2] : memref<8192xi32, #tpu.memory_space<hbm>> -> memref<256xi32, #tpu.memory_space<hbm>>
      %dma_start3A_12 = tpu.memref_slice %arg2[%mul3A_2] : memref<8192xi32, #tpu.memory_space<hbm>> -> memref<256xi32, #tpu.memory_space<hbm>>
      tpu.enqueue_dma source(%dma_start3A_12 : memref<256xi32, #tpu.memory_space<hbm>>) target(%arg5 : memref<256xi32, #tpu.memory_space<vmem>>) target_semaphore(%run_scoped3A : memref<!tpu.dma_semaphore, #tpu.memory_space<semaphore_mem>>)
      %dma_wait3A_13 = tpu.memref_slice %arg2[%mul3A_2] : memref<8192xi32, #tpu.memory_space<hbm>> -> memref<256xi32, #tpu.memory_space<hbm>>
      %dma_wait3A_14 = tpu.memref_slice %arg2[%mul3A_2] : memref<8192xi32, #tpu.memory_space<hbm>> -> memref<256xi32, #tpu.memory_space<hbm>>
      tpu.wait_dma2 semaphore(%run_scoped3A : memref<!tpu.dma_semaphore, #tpu.memory_space<semaphore_mem>>) src(%dma_wait3A_14 : memref<256xi32, #tpu.memory_space<hbm>>) dst(%arg5 : memref<256xi32, #tpu.memory_space<vmem>>)
      tpu.yield
    }) : () -> ()
    %barrier3A = arith.constant 0 : index
    tpu.barrier barrier_id(%barrier3A)
    %dma_start3A = arith.constant 0 : i32
    %dma_start3A_7 = arith.constant 0 : i32
    %dma_start3A_8 = tpu.memref_slice %arg7[%dma_start3A, %dma_start3A_7] : memref<8192x128xf32, #tpu.memory_space<vmem_shared>> -> memref<8192x128xf32, #tpu.memory_space<vmem_shared>>
    tpu.enqueue_indirect_dma source(%dma_start3A_8 : memref<8192x128xf32, #tpu.memory_space<vmem_shared>>) target(%arg6 : memref<256x128xf32, #tpu.memory_space<vmem>>) offsets(%arg5 : memref<256xi32, #tpu.memory_space<vmem>>) semaphore(%arg8 : memref<!tpu.dma_semaphore, #tpu.memory_space<semaphore_mem>>)
    %dma_wait3A = arith.constant 0 : i32
    %dma_wait3A_9 = arith.constant 0 : i32
    %dma_wait3A_10 = tpu.memref_slice %arg7[%dma_wait3A, %dma_wait3A_9] : memref<8192x128xf32, #tpu.memory_space<vmem_shared>> -> memref<8192x128xf32, #tpu.memory_space<vmem_shared>>
    tpu.wait_indirect_dma semaphore(%arg8 : memref<!tpu.dma_semaphore, #tpu.memory_space<semaphore_mem>>) src(%dma_wait3A_10 : memref<8192x128xf32, #tpu.memory_space<vmem_shared>>) dst(%arg6 : memref<256x128xf32, #tpu.memory_space<vmem>>)
    "tpu.region"() ({
      %run_scoped3A = tpu.sem_alloc : memref<!tpu.dma_semaphore, #tpu.memory_space<semaphore_mem>>
      %dma_start3A_11 = arith.constant 0 : i32
      %dma_start3A_12 = tpu.memref_slice %arg4[%mul3A_2, %dma_start3A_11] : memref<8192x128xf32, #tpu.memory_space<hbm>> -> memref<256x128xf32, #tpu.memory_space<hbm>>
      %dma_start3A_13 = arith.constant 0 : i32
      %dma_start3A_14 = tpu.memref_slice %arg4[%mul3A_2, %dma_start3A_13] : memref<8192x128xf32, #tpu.memory_space<hbm>> -> memref<256x128xf32, #tpu.memory_space<hbm>>
      tpu.enqueue_dma source(%arg6 : memref<256x128xf32, #tpu.memory_space<vmem>>) target(%dma_start3A_14 : memref<256x128xf32, #tpu.memory_space<hbm>>) target_semaphore(%run_scoped3A : memref<!tpu.dma_semaphore, #tpu.memory_space<semaphore_mem>>)
      %dma_wait3A_15 = arith.constant 0 : i32
      %dma_wait3A_16 = tpu.memref_slice %arg4[%mul3A_2, %dma_wait3A_15] : memref<8192x128xf32, #tpu.memory_space<hbm>> -> memref<256x128xf32, #tpu.memory_space<hbm>>
      %dma_wait3A_17 = arith.constant 0 : i32
      %dma_wait3A_18 = tpu.memref_slice %arg4[%mul3A_2, %dma_wait3A_17] : memref<8192x128xf32, #tpu.memory_space<hbm>> -> memref<256x128xf32, #tpu.memory_space<hbm>>
      tpu.wait_dma2 semaphore(%run_scoped3A : memref<!tpu.dma_semaphore, #tpu.memory_space<semaphore_mem>>) src(%arg6 : memref<256x128xf32, #tpu.memory_space<vmem>>) dst(%dma_wait3A_18 : memref<256x128xf32, #tpu.memory_space<hbm>>)
      tpu.yield
    }) : () -> ()
    return
  }
}

module attributes {stable_mosaic.version = 14 : i64} {
  func.func @_vq_body(%arg0: i32, %arg1: memref<1x96x1024xf32, #tpu.memory_space<vmem>>, %arg2: memref<8192x32xf32, #tpu.memory_space<vmem>>, %arg3: memref<96x32xf32, #tpu.memory_space<vmem>>, %arg4: memref<1x32xf32, #tpu.memory_space<vmem>>, %arg5: memref<32x128xf32, #tpu.memory_space<vmem>>, %arg6: memref<1x128xf32, #tpu.memory_space<vmem>>, %arg7: memref<1x1x1024xi32, #tpu.memory_space<vmem>>, %arg8: memref<8192x128xf32, #tpu.memory_space<vmem>>, %arg9: memref<1x1xf32, #tpu.memory_space<vmem>>) attributes {dimension_semantics = [#tpu.dimension_semantics<arbitrary>], iteration_bounds = array<i64: 8>, scalar_prefetch = 0 : i64, scratch_operands = 0 : i64, tpu.core_type = #tpu.core_type<tc>, window_params = [{transform_indices = @transform_0, window_bounds = array<i64: 1, 96, 1024>}, {pipeline_mode = #tpu.pipeline_mode<synchronous>, transform_indices = @transform_1, window_bounds = array<i64: 8192, 32>}, {pipeline_mode = #tpu.pipeline_mode<synchronous>, transform_indices = @transform_2, window_bounds = array<i64: 96, 32>}, {pipeline_mode = #tpu.pipeline_mode<synchronous>, transform_indices = @transform_3, window_bounds = array<i64: 1, 32>}, {pipeline_mode = #tpu.pipeline_mode<synchronous>, transform_indices = @transform_4, window_bounds = array<i64: 32, 128>}, {pipeline_mode = #tpu.pipeline_mode<synchronous>, transform_indices = @transform_5, window_bounds = array<i64: 1, 128>}, {transform_indices = @transform_6, window_bounds = array<i64: 1, 1, 1024>}, {pipeline_mode = #tpu.pipeline_mode<synchronous>, transform_indices = @transform_7, window_bounds = array<i64: 8192, 128>}, {pipeline_mode = #tpu.pipeline_mode<synchronous>, transform_indices = @transform_8, window_bounds = array<i64: 1, 1>}]} {
    %get3A = arith.constant 0 : index
    %get3A_0 = arith.constant 0 : index
    %get3A_1 = arith.constant 0 : index
    %get3A_2 = vector.load %arg1[%get3A, %get3A_0, %get3A_1] : memref<1x96x1024xf32, #tpu.memory_space<vmem>>, vector<1x96x1024xf32>
    %get3A_3 = vector.shape_cast %get3A_2 : vector<1x96x1024xf32> to vector<96x1024xf32>
    %get3A_4 = arith.constant 0 : index
    %get3A_5 = arith.constant 0 : index
    %get3A_6 = vector.load %arg3[%get3A_4, %get3A_5] : memref<96x32xf32, #tpu.memory_space<vmem>>, vector<96x32xf32>
    %dot_general3A = arith.constant dense<0.000000e+00> : vector<1024x32xf32>
    %dot_general3A_7 = tpu.matmul %get3A_3, %get3A_6, %dot_general3A {dimension_numbers = #tpu.dot_dimension_numbers<[0], [0], [1], [1], [0, 1, 1, 1], [], []>, transpose_lhs_hint = false} : vector<96x1024xf32>, vector<96x32xf32>, vector<1024x32xf32> -> vector<1024x32xf32>
    %get3A_8 = arith.constant 0 : index
    %get3A_9 = arith.constant 0 : index
    %get3A_10 = vector.load %arg4[%get3A_8, %get3A_9] : memref<1x32xf32, #tpu.memory_space<vmem>>, vector<1x32xf32>
    %add3A = vector.broadcast %get3A_10 : vector<1x32xf32> to vector<1024x32xf32>
    %add3A_11 = arith.addf %dot_general3A_7, %add3A : vector<1024x32xf32>
    %mul3A = arith.mulf %add3A_11, %add3A_11 : vector<1024x32xf32>
    %reduce_sum3A = arith.constant dense<0.000000e+00> : vector<1024xf32>
    %reduce_sum3A_12 = vector.multi_reduction <add>, %mul3A, %reduce_sum3A [1] : vector<1024x32xf32> to vector<1024xf32>
    %broadcast_in_dim3A = vector.shape_cast %reduce_sum3A_12 : vector<1024xf32> to vector<1024x1xf32>
    %iota3A = tpu.iota {dimensions = array<i32: 1>} : vector<1024x1024xi32>
    %convert_element_type3A = arith.sitofp %iota3A : vector<1024x1024xi32> to vector<1024x1024xf32>
    %broadcast_in_dim3A_13 = arith.constant 1.000000e+09 : f32
    %broadcast_in_dim3A_14 = vector.broadcast %broadcast_in_dim3A_13 : f32 to vector<1024xf32>
    %broadcast_in_dim3A_15 = arith.constant 0.000000e+00 : f32
    %broadcast_in_dim3A_16 = vector.broadcast %broadcast_in_dim3A_15 : f32 to vector<1024xf32>
    %get3A_17 = arith.constant 0 : index
    %get3A_18 = arith.constant 0 : index
    %get3A_19 = vector.load %arg2[%get3A_17, %get3A_18] : memref<8192x32xf32, #tpu.memory_space<vmem>>, vector<1024x32xf32>
    %dot_general3A_20 = arith.constant dense<0.000000e+00> : vector<1024x1024xf32>
    %dot_general3A_21 = tpu.matmul %add3A_11, %get3A_19, %dot_general3A_20 {dimension_numbers = #tpu.dot_dimension_numbers<[1], [1], [0], [0], [0, 0, 1, 0], [], []>, transpose_lhs_hint = false} : vector<1024x32xf32>, vector<1024x32xf32>, vector<1024x1024xf32> -> vector<1024x1024xf32>
    %mul3A_22 = arith.mulf %get3A_19, %get3A_19 : vector<1024x32xf32>
    %reduce_sum3A_23 = arith.constant dense<0.000000e+00> : vector<1024xf32>
    %reduce_sum3A_24 = vector.multi_reduction <add>, %mul3A_22, %reduce_sum3A_23 [1] : vector<1024x32xf32> to vector<1024xf32>
    %broadcast_in_dim3A_25 = vector.shape_cast %reduce_sum3A_24 : vector<1024xf32> to vector<1x1024xf32>
    %add3A_26 = vector.broadcast %broadcast_in_dim3A : vector<1024x1xf32> to vector<1024x1024xf32>
    %add3A_27 = vector.broadcast %broadcast_in_dim3A_25 : vector<1x1024xf32> to vector<1024x1024xf32>
    %add3A_28 = arith.addf %add3A_26, %add3A_27 : vector<1024x1024xf32>
    %mul3A_29 = arith.constant 2.000000e+00 : f32
    %mul3A_30 = vector.broadcast %mul3A_29 : f32 to vector<1024x1024xf32>
    %mul3A_31 = arith.mulf %mul3A_30, %dot_general3A_21 : vector<1024x1024xf32>
    %sub3A = arith.subf %add3A_28, %mul3A_31 : vector<1024x1024xf32>
    %reduce_min3A = arith.constant dense<0x7F800000> : vector<1024xf32>
    %reduce_min3A_32 = vector.multi_reduction <minimumf>, %sub3A, %reduce_min3A [1] : vector<1024x1024xf32> to vector<1024xf32>
    %broadcast_in_dim3A_33 = vector.shape_cast %reduce_min3A_32 : vector<1024xf32> to vector<1024x1xf32>
    %eq3A = vector.broadcast %broadcast_in_dim3A_33 : vector<1024x1xf32> to vector<1024x1024xf32>
    %eq3A_34 = arith.cmpf oeq, %sub3A, %eq3A : vector<1024x1024xf32>
    %jit3A = arith.constant 1.000000e+09 : f32
    %broadcast_in_dim3A_35 = vector.broadcast %jit3A : f32 to vector<1024x1024xf32>
    %select_n3A = arith.select %eq3A_34, %convert_element_type3A, %broadcast_in_dim3A_35 : vector<1024x1024xi1>, vector<1024x1024xf32>
    %reduce_min3A_36 = arith.constant dense<0x7F800000> : vector<1024xf32>
    %reduce_min3A_37 = vector.multi_reduction <minimumf>, %select_n3A, %reduce_min3A_36 [1] : vector<1024x1024xf32> to vector<1024xf32>
    %add3A_38 = arith.constant 0.000000e+00 : f32
    %add3A_39 = vector.broadcast %add3A_38 : f32 to vector<1024xf32>
    %add3A_40 = arith.addf %reduce_min3A_37, %add3A_39 : vector<1024xf32>
    %lt3A = arith.cmpf olt, %reduce_min3A_32, %broadcast_in_dim3A_14 : vector<1024xf32>
    %select_n3A_41 = arith.select %lt3A, %reduce_min3A_32, %broadcast_in_dim3A_14 : vector<1024xi1>, vector<1024xf32>
    %select_n3A_42 = arith.select %lt3A, %add3A_40, %broadcast_in_dim3A_16 : vector<1024xi1>, vector<1024xf32>
    %get3A_43 = arith.constant 1024 : index
    %get3A_44 = arith.constant 0 : index
    %get3A_45 = vector.load %arg2[%get3A_43, %get3A_44] : memref<8192x32xf32, #tpu.memory_space<vmem>>, vector<1024x32xf32>
    %dot_general3A_46 = arith.constant dense<0.000000e+00> : vector<1024x1024xf32>
    %dot_general3A_47 = tpu.matmul %add3A_11, %get3A_45, %dot_general3A_46 {dimension_numbers = #tpu.dot_dimension_numbers<[1], [1], [0], [0], [0, 0, 1, 0], [], []>, transpose_lhs_hint = false} : vector<1024x32xf32>, vector<1024x32xf32>, vector<1024x1024xf32> -> vector<1024x1024xf32>
    %mul3A_48 = arith.mulf %get3A_45, %get3A_45 : vector<1024x32xf32>
    %reduce_sum3A_49 = arith.constant dense<0.000000e+00> : vector<1024xf32>
    %reduce_sum3A_50 = vector.multi_reduction <add>, %mul3A_48, %reduce_sum3A_49 [1] : vector<1024x32xf32> to vector<1024xf32>
    %broadcast_in_dim3A_51 = vector.shape_cast %reduce_sum3A_50 : vector<1024xf32> to vector<1x1024xf32>
    %add3A_52 = vector.broadcast %broadcast_in_dim3A : vector<1024x1xf32> to vector<1024x1024xf32>
    %add3A_53 = vector.broadcast %broadcast_in_dim3A_51 : vector<1x1024xf32> to vector<1024x1024xf32>
    %add3A_54 = arith.addf %add3A_52, %add3A_53 : vector<1024x1024xf32>
    %mul3A_55 = arith.constant 2.000000e+00 : f32
    %mul3A_56 = vector.broadcast %mul3A_55 : f32 to vector<1024x1024xf32>
    %mul3A_57 = arith.mulf %mul3A_56, %dot_general3A_47 : vector<1024x1024xf32>
    %sub3A_58 = arith.subf %add3A_54, %mul3A_57 : vector<1024x1024xf32>
    %reduce_min3A_59 = arith.constant dense<0x7F800000> : vector<1024xf32>
    %reduce_min3A_60 = vector.multi_reduction <minimumf>, %sub3A_58, %reduce_min3A_59 [1] : vector<1024x1024xf32> to vector<1024xf32>
    %broadcast_in_dim3A_61 = vector.shape_cast %reduce_min3A_60 : vector<1024xf32> to vector<1024x1xf32>
    %eq3A_62 = vector.broadcast %broadcast_in_dim3A_61 : vector<1024x1xf32> to vector<1024x1024xf32>
    %eq3A_63 = arith.cmpf oeq, %sub3A_58, %eq3A_62 : vector<1024x1024xf32>
    %jit3A_64 = arith.constant 1.000000e+09 : f32
    %broadcast_in_dim3A_65 = vector.broadcast %jit3A_64 : f32 to vector<1024x1024xf32>
    %select_n3A_66 = arith.select %eq3A_63, %convert_element_type3A, %broadcast_in_dim3A_65 : vector<1024x1024xi1>, vector<1024x1024xf32>
    %reduce_min3A_67 = arith.constant dense<0x7F800000> : vector<1024xf32>
    %reduce_min3A_68 = vector.multi_reduction <minimumf>, %select_n3A_66, %reduce_min3A_67 [1] : vector<1024x1024xf32> to vector<1024xf32>
    %add3A_69 = arith.constant 1.024000e+03 : f32
    %add3A_70 = vector.broadcast %add3A_69 : f32 to vector<1024xf32>
    %add3A_71 = arith.addf %reduce_min3A_68, %add3A_70 : vector<1024xf32>
    %lt3A_72 = arith.cmpf olt, %reduce_min3A_60, %select_n3A_41 : vector<1024xf32>
    %select_n3A_73 = arith.select %lt3A_72, %reduce_min3A_60, %select_n3A_41 : vector<1024xi1>, vector<1024xf32>
    %select_n3A_74 = arith.select %lt3A_72, %add3A_71, %select_n3A_42 : vector<1024xi1>, vector<1024xf32>
    %get3A_75 = arith.constant 2048 : index
    %get3A_76 = arith.constant 0 : index
    %get3A_77 = vector.load %arg2[%get3A_75, %get3A_76] : memref<8192x32xf32, #tpu.memory_space<vmem>>, vector<1024x32xf32>
    %dot_general3A_78 = arith.constant dense<0.000000e+00> : vector<1024x1024xf32>
    %dot_general3A_79 = tpu.matmul %add3A_11, %get3A_77, %dot_general3A_78 {dimension_numbers = #tpu.dot_dimension_numbers<[1], [1], [0], [0], [0, 0, 1, 0], [], []>, transpose_lhs_hint = false} : vector<1024x32xf32>, vector<1024x32xf32>, vector<1024x1024xf32> -> vector<1024x1024xf32>
    %mul3A_80 = arith.mulf %get3A_77, %get3A_77 : vector<1024x32xf32>
    %reduce_sum3A_81 = arith.constant dense<0.000000e+00> : vector<1024xf32>
    %reduce_sum3A_82 = vector.multi_reduction <add>, %mul3A_80, %reduce_sum3A_81 [1] : vector<1024x32xf32> to vector<1024xf32>
    %broadcast_in_dim3A_83 = vector.shape_cast %reduce_sum3A_82 : vector<1024xf32> to vector<1x1024xf32>
    %add3A_84 = vector.broadcast %broadcast_in_dim3A : vector<1024x1xf32> to vector<1024x1024xf32>
    %add3A_85 = vector.broadcast %broadcast_in_dim3A_83 : vector<1x1024xf32> to vector<1024x1024xf32>
    %add3A_86 = arith.addf %add3A_84, %add3A_85 : vector<1024x1024xf32>
    %mul3A_87 = arith.constant 2.000000e+00 : f32
    %mul3A_88 = vector.broadcast %mul3A_87 : f32 to vector<1024x1024xf32>
    %mul3A_89 = arith.mulf %mul3A_88, %dot_general3A_79 : vector<1024x1024xf32>
    %sub3A_90 = arith.subf %add3A_86, %mul3A_89 : vector<1024x1024xf32>
    %reduce_min3A_91 = arith.constant dense<0x7F800000> : vector<1024xf32>
    %reduce_min3A_92 = vector.multi_reduction <minimumf>, %sub3A_90, %reduce_min3A_91 [1] : vector<1024x1024xf32> to vector<1024xf32>
    %broadcast_in_dim3A_93 = vector.shape_cast %reduce_min3A_92 : vector<1024xf32> to vector<1024x1xf32>
    %eq3A_94 = vector.broadcast %broadcast_in_dim3A_93 : vector<1024x1xf32> to vector<1024x1024xf32>
    %eq3A_95 = arith.cmpf oeq, %sub3A_90, %eq3A_94 : vector<1024x1024xf32>
    %jit3A_96 = arith.constant 1.000000e+09 : f32
    %broadcast_in_dim3A_97 = vector.broadcast %jit3A_96 : f32 to vector<1024x1024xf32>
    %select_n3A_98 = arith.select %eq3A_95, %convert_element_type3A, %broadcast_in_dim3A_97 : vector<1024x1024xi1>, vector<1024x1024xf32>
    %reduce_min3A_99 = arith.constant dense<0x7F800000> : vector<1024xf32>
    %reduce_min3A_100 = vector.multi_reduction <minimumf>, %select_n3A_98, %reduce_min3A_99 [1] : vector<1024x1024xf32> to vector<1024xf32>
    %add3A_101 = arith.constant 2.048000e+03 : f32
    %add3A_102 = vector.broadcast %add3A_101 : f32 to vector<1024xf32>
    %add3A_103 = arith.addf %reduce_min3A_100, %add3A_102 : vector<1024xf32>
    %lt3A_104 = arith.cmpf olt, %reduce_min3A_92, %select_n3A_73 : vector<1024xf32>
    %select_n3A_105 = arith.select %lt3A_104, %reduce_min3A_92, %select_n3A_73 : vector<1024xi1>, vector<1024xf32>
    %select_n3A_106 = arith.select %lt3A_104, %add3A_103, %select_n3A_74 : vector<1024xi1>, vector<1024xf32>
    %get3A_107 = arith.constant 3072 : index
    %get3A_108 = arith.constant 0 : index
    %get3A_109 = vector.load %arg2[%get3A_107, %get3A_108] : memref<8192x32xf32, #tpu.memory_space<vmem>>, vector<1024x32xf32>
    %dot_general3A_110 = arith.constant dense<0.000000e+00> : vector<1024x1024xf32>
    %dot_general3A_111 = tpu.matmul %add3A_11, %get3A_109, %dot_general3A_110 {dimension_numbers = #tpu.dot_dimension_numbers<[1], [1], [0], [0], [0, 0, 1, 0], [], []>, transpose_lhs_hint = false} : vector<1024x32xf32>, vector<1024x32xf32>, vector<1024x1024xf32> -> vector<1024x1024xf32>
    %mul3A_112 = arith.mulf %get3A_109, %get3A_109 : vector<1024x32xf32>
    %reduce_sum3A_113 = arith.constant dense<0.000000e+00> : vector<1024xf32>
    %reduce_sum3A_114 = vector.multi_reduction <add>, %mul3A_112, %reduce_sum3A_113 [1] : vector<1024x32xf32> to vector<1024xf32>
    %broadcast_in_dim3A_115 = vector.shape_cast %reduce_sum3A_114 : vector<1024xf32> to vector<1x1024xf32>
    %add3A_116 = vector.broadcast %broadcast_in_dim3A : vector<1024x1xf32> to vector<1024x1024xf32>
    %add3A_117 = vector.broadcast %broadcast_in_dim3A_115 : vector<1x1024xf32> to vector<1024x1024xf32>
    %add3A_118 = arith.addf %add3A_116, %add3A_117 : vector<1024x1024xf32>
    %mul3A_119 = arith.constant 2.000000e+00 : f32
    %mul3A_120 = vector.broadcast %mul3A_119 : f32 to vector<1024x1024xf32>
    %mul3A_121 = arith.mulf %mul3A_120, %dot_general3A_111 : vector<1024x1024xf32>
    %sub3A_122 = arith.subf %add3A_118, %mul3A_121 : vector<1024x1024xf32>
    %reduce_min3A_123 = arith.constant dense<0x7F800000> : vector<1024xf32>
    %reduce_min3A_124 = vector.multi_reduction <minimumf>, %sub3A_122, %reduce_min3A_123 [1] : vector<1024x1024xf32> to vector<1024xf32>
    %broadcast_in_dim3A_125 = vector.shape_cast %reduce_min3A_124 : vector<1024xf32> to vector<1024x1xf32>
    %eq3A_126 = vector.broadcast %broadcast_in_dim3A_125 : vector<1024x1xf32> to vector<1024x1024xf32>
    %eq3A_127 = arith.cmpf oeq, %sub3A_122, %eq3A_126 : vector<1024x1024xf32>
    %jit3A_128 = arith.constant 1.000000e+09 : f32
    %broadcast_in_dim3A_129 = vector.broadcast %jit3A_128 : f32 to vector<1024x1024xf32>
    %select_n3A_130 = arith.select %eq3A_127, %convert_element_type3A, %broadcast_in_dim3A_129 : vector<1024x1024xi1>, vector<1024x1024xf32>
    %reduce_min3A_131 = arith.constant dense<0x7F800000> : vector<1024xf32>
    %reduce_min3A_132 = vector.multi_reduction <minimumf>, %select_n3A_130, %reduce_min3A_131 [1] : vector<1024x1024xf32> to vector<1024xf32>
    %add3A_133 = arith.constant 3.072000e+03 : f32
    %add3A_134 = vector.broadcast %add3A_133 : f32 to vector<1024xf32>
    %add3A_135 = arith.addf %reduce_min3A_132, %add3A_134 : vector<1024xf32>
    %lt3A_136 = arith.cmpf olt, %reduce_min3A_124, %select_n3A_105 : vector<1024xf32>
    %select_n3A_137 = arith.select %lt3A_136, %reduce_min3A_124, %select_n3A_105 : vector<1024xi1>, vector<1024xf32>
    %select_n3A_138 = arith.select %lt3A_136, %add3A_135, %select_n3A_106 : vector<1024xi1>, vector<1024xf32>
    %get3A_139 = arith.constant 4096 : index
    %get3A_140 = arith.constant 0 : index
    %get3A_141 = vector.load %arg2[%get3A_139, %get3A_140] : memref<8192x32xf32, #tpu.memory_space<vmem>>, vector<1024x32xf32>
    %dot_general3A_142 = arith.constant dense<0.000000e+00> : vector<1024x1024xf32>
    %dot_general3A_143 = tpu.matmul %add3A_11, %get3A_141, %dot_general3A_142 {dimension_numbers = #tpu.dot_dimension_numbers<[1], [1], [0], [0], [0, 0, 1, 0], [], []>, transpose_lhs_hint = false} : vector<1024x32xf32>, vector<1024x32xf32>, vector<1024x1024xf32> -> vector<1024x1024xf32>
    %mul3A_144 = arith.mulf %get3A_141, %get3A_141 : vector<1024x32xf32>
    %reduce_sum3A_145 = arith.constant dense<0.000000e+00> : vector<1024xf32>
    %reduce_sum3A_146 = vector.multi_reduction <add>, %mul3A_144, %reduce_sum3A_145 [1] : vector<1024x32xf32> to vector<1024xf32>
    %broadcast_in_dim3A_147 = vector.shape_cast %reduce_sum3A_146 : vector<1024xf32> to vector<1x1024xf32>
    %add3A_148 = vector.broadcast %broadcast_in_dim3A : vector<1024x1xf32> to vector<1024x1024xf32>
    %add3A_149 = vector.broadcast %broadcast_in_dim3A_147 : vector<1x1024xf32> to vector<1024x1024xf32>
    %add3A_150 = arith.addf %add3A_148, %add3A_149 : vector<1024x1024xf32>
    %mul3A_151 = arith.constant 2.000000e+00 : f32
    %mul3A_152 = vector.broadcast %mul3A_151 : f32 to vector<1024x1024xf32>
    %mul3A_153 = arith.mulf %mul3A_152, %dot_general3A_143 : vector<1024x1024xf32>
    %sub3A_154 = arith.subf %add3A_150, %mul3A_153 : vector<1024x1024xf32>
    %reduce_min3A_155 = arith.constant dense<0x7F800000> : vector<1024xf32>
    %reduce_min3A_156 = vector.multi_reduction <minimumf>, %sub3A_154, %reduce_min3A_155 [1] : vector<1024x1024xf32> to vector<1024xf32>
    %broadcast_in_dim3A_157 = vector.shape_cast %reduce_min3A_156 : vector<1024xf32> to vector<1024x1xf32>
    %eq3A_158 = vector.broadcast %broadcast_in_dim3A_157 : vector<1024x1xf32> to vector<1024x1024xf32>
    %eq3A_159 = arith.cmpf oeq, %sub3A_154, %eq3A_158 : vector<1024x1024xf32>
    %jit3A_160 = arith.constant 1.000000e+09 : f32
    %broadcast_in_dim3A_161 = vector.broadcast %jit3A_160 : f32 to vector<1024x1024xf32>
    %select_n3A_162 = arith.select %eq3A_159, %convert_element_type3A, %broadcast_in_dim3A_161 : vector<1024x1024xi1>, vector<1024x1024xf32>
    %reduce_min3A_163 = arith.constant dense<0x7F800000> : vector<1024xf32>
    %reduce_min3A_164 = vector.multi_reduction <minimumf>, %select_n3A_162, %reduce_min3A_163 [1] : vector<1024x1024xf32> to vector<1024xf32>
    %add3A_165 = arith.constant 4.096000e+03 : f32
    %add3A_166 = vector.broadcast %add3A_165 : f32 to vector<1024xf32>
    %add3A_167 = arith.addf %reduce_min3A_164, %add3A_166 : vector<1024xf32>
    %lt3A_168 = arith.cmpf olt, %reduce_min3A_156, %select_n3A_137 : vector<1024xf32>
    %select_n3A_169 = arith.select %lt3A_168, %reduce_min3A_156, %select_n3A_137 : vector<1024xi1>, vector<1024xf32>
    %select_n3A_170 = arith.select %lt3A_168, %add3A_167, %select_n3A_138 : vector<1024xi1>, vector<1024xf32>
    %get3A_171 = arith.constant 5120 : index
    %get3A_172 = arith.constant 0 : index
    %get3A_173 = vector.load %arg2[%get3A_171, %get3A_172] : memref<8192x32xf32, #tpu.memory_space<vmem>>, vector<1024x32xf32>
    %dot_general3A_174 = arith.constant dense<0.000000e+00> : vector<1024x1024xf32>
    %dot_general3A_175 = tpu.matmul %add3A_11, %get3A_173, %dot_general3A_174 {dimension_numbers = #tpu.dot_dimension_numbers<[1], [1], [0], [0], [0, 0, 1, 0], [], []>, transpose_lhs_hint = false} : vector<1024x32xf32>, vector<1024x32xf32>, vector<1024x1024xf32> -> vector<1024x1024xf32>
    %mul3A_176 = arith.mulf %get3A_173, %get3A_173 : vector<1024x32xf32>
    %reduce_sum3A_177 = arith.constant dense<0.000000e+00> : vector<1024xf32>
    %reduce_sum3A_178 = vector.multi_reduction <add>, %mul3A_176, %reduce_sum3A_177 [1] : vector<1024x32xf32> to vector<1024xf32>
    %broadcast_in_dim3A_179 = vector.shape_cast %reduce_sum3A_178 : vector<1024xf32> to vector<1x1024xf32>
    %add3A_180 = vector.broadcast %broadcast_in_dim3A : vector<1024x1xf32> to vector<1024x1024xf32>
    %add3A_181 = vector.broadcast %broadcast_in_dim3A_179 : vector<1x1024xf32> to vector<1024x1024xf32>
    %add3A_182 = arith.addf %add3A_180, %add3A_181 : vector<1024x1024xf32>
    %mul3A_183 = arith.constant 2.000000e+00 : f32
    %mul3A_184 = vector.broadcast %mul3A_183 : f32 to vector<1024x1024xf32>
    %mul3A_185 = arith.mulf %mul3A_184, %dot_general3A_175 : vector<1024x1024xf32>
    %sub3A_186 = arith.subf %add3A_182, %mul3A_185 : vector<1024x1024xf32>
    %reduce_min3A_187 = arith.constant dense<0x7F800000> : vector<1024xf32>
    %reduce_min3A_188 = vector.multi_reduction <minimumf>, %sub3A_186, %reduce_min3A_187 [1] : vector<1024x1024xf32> to vector<1024xf32>
    %broadcast_in_dim3A_189 = vector.shape_cast %reduce_min3A_188 : vector<1024xf32> to vector<1024x1xf32>
    %eq3A_190 = vector.broadcast %broadcast_in_dim3A_189 : vector<1024x1xf32> to vector<1024x1024xf32>
    %eq3A_191 = arith.cmpf oeq, %sub3A_186, %eq3A_190 : vector<1024x1024xf32>
    %jit3A_192 = arith.constant 1.000000e+09 : f32
    %broadcast_in_dim3A_193 = vector.broadcast %jit3A_192 : f32 to vector<1024x1024xf32>
    %select_n3A_194 = arith.select %eq3A_191, %convert_element_type3A, %broadcast_in_dim3A_193 : vector<1024x1024xi1>, vector<1024x1024xf32>
    %reduce_min3A_195 = arith.constant dense<0x7F800000> : vector<1024xf32>
    %reduce_min3A_196 = vector.multi_reduction <minimumf>, %select_n3A_194, %reduce_min3A_195 [1] : vector<1024x1024xf32> to vector<1024xf32>
    %add3A_197 = arith.constant 5.120000e+03 : f32
    %add3A_198 = vector.broadcast %add3A_197 : f32 to vector<1024xf32>
    %add3A_199 = arith.addf %reduce_min3A_196, %add3A_198 : vector<1024xf32>
    %lt3A_200 = arith.cmpf olt, %reduce_min3A_188, %select_n3A_169 : vector<1024xf32>
    %select_n3A_201 = arith.select %lt3A_200, %reduce_min3A_188, %select_n3A_169 : vector<1024xi1>, vector<1024xf32>
    %select_n3A_202 = arith.select %lt3A_200, %add3A_199, %select_n3A_170 : vector<1024xi1>, vector<1024xf32>
    %get3A_203 = arith.constant 6144 : index
    %get3A_204 = arith.constant 0 : index
    %get3A_205 = vector.load %arg2[%get3A_203, %get3A_204] : memref<8192x32xf32, #tpu.memory_space<vmem>>, vector<1024x32xf32>
    %dot_general3A_206 = arith.constant dense<0.000000e+00> : vector<1024x1024xf32>
    %dot_general3A_207 = tpu.matmul %add3A_11, %get3A_205, %dot_general3A_206 {dimension_numbers = #tpu.dot_dimension_numbers<[1], [1], [0], [0], [0, 0, 1, 0], [], []>, transpose_lhs_hint = false} : vector<1024x32xf32>, vector<1024x32xf32>, vector<1024x1024xf32> -> vector<1024x1024xf32>
    %mul3A_208 = arith.mulf %get3A_205, %get3A_205 : vector<1024x32xf32>
    %reduce_sum3A_209 = arith.constant dense<0.000000e+00> : vector<1024xf32>
    %reduce_sum3A_210 = vector.multi_reduction <add>, %mul3A_208, %reduce_sum3A_209 [1] : vector<1024x32xf32> to vector<1024xf32>
    %broadcast_in_dim3A_211 = vector.shape_cast %reduce_sum3A_210 : vector<1024xf32> to vector<1x1024xf32>
    %add3A_212 = vector.broadcast %broadcast_in_dim3A : vector<1024x1xf32> to vector<1024x1024xf32>
    %add3A_213 = vector.broadcast %broadcast_in_dim3A_211 : vector<1x1024xf32> to vector<1024x1024xf32>
    %add3A_214 = arith.addf %add3A_212, %add3A_213 : vector<1024x1024xf32>
    %mul3A_215 = arith.constant 2.000000e+00 : f32
    %mul3A_216 = vector.broadcast %mul3A_215 : f32 to vector<1024x1024xf32>
    %mul3A_217 = arith.mulf %mul3A_216, %dot_general3A_207 : vector<1024x1024xf32>
    %sub3A_218 = arith.subf %add3A_214, %mul3A_217 : vector<1024x1024xf32>
    %reduce_min3A_219 = arith.constant dense<0x7F800000> : vector<1024xf32>
    %reduce_min3A_220 = vector.multi_reduction <minimumf>, %sub3A_218, %reduce_min3A_219 [1] : vector<1024x1024xf32> to vector<1024xf32>
    %broadcast_in_dim3A_221 = vector.shape_cast %reduce_min3A_220 : vector<1024xf32> to vector<1024x1xf32>
    %eq3A_222 = vector.broadcast %broadcast_in_dim3A_221 : vector<1024x1xf32> to vector<1024x1024xf32>
    %eq3A_223 = arith.cmpf oeq, %sub3A_218, %eq3A_222 : vector<1024x1024xf32>
    %jit3A_224 = arith.constant 1.000000e+09 : f32
    %broadcast_in_dim3A_225 = vector.broadcast %jit3A_224 : f32 to vector<1024x1024xf32>
    %select_n3A_226 = arith.select %eq3A_223, %convert_element_type3A, %broadcast_in_dim3A_225 : vector<1024x1024xi1>, vector<1024x1024xf32>
    %reduce_min3A_227 = arith.constant dense<0x7F800000> : vector<1024xf32>
    %reduce_min3A_228 = vector.multi_reduction <minimumf>, %select_n3A_226, %reduce_min3A_227 [1] : vector<1024x1024xf32> to vector<1024xf32>
    %add3A_229 = arith.constant 6.144000e+03 : f32
    %add3A_230 = vector.broadcast %add3A_229 : f32 to vector<1024xf32>
    %add3A_231 = arith.addf %reduce_min3A_228, %add3A_230 : vector<1024xf32>
    %lt3A_232 = arith.cmpf olt, %reduce_min3A_220, %select_n3A_201 : vector<1024xf32>
    %select_n3A_233 = arith.select %lt3A_232, %reduce_min3A_220, %select_n3A_201 : vector<1024xi1>, vector<1024xf32>
    %select_n3A_234 = arith.select %lt3A_232, %add3A_231, %select_n3A_202 : vector<1024xi1>, vector<1024xf32>
    %get3A_235 = arith.constant 7168 : index
    %get3A_236 = arith.constant 0 : index
    %get3A_237 = vector.load %arg2[%get3A_235, %get3A_236] : memref<8192x32xf32, #tpu.memory_space<vmem>>, vector<1024x32xf32>
    %dot_general3A_238 = arith.constant dense<0.000000e+00> : vector<1024x1024xf32>
    %dot_general3A_239 = tpu.matmul %add3A_11, %get3A_237, %dot_general3A_238 {dimension_numbers = #tpu.dot_dimension_numbers<[1], [1], [0], [0], [0, 0, 1, 0], [], []>, transpose_lhs_hint = false} : vector<1024x32xf32>, vector<1024x32xf32>, vector<1024x1024xf32> -> vector<1024x1024xf32>
    %mul3A_240 = arith.mulf %get3A_237, %get3A_237 : vector<1024x32xf32>
    %reduce_sum3A_241 = arith.constant dense<0.000000e+00> : vector<1024xf32>
    %reduce_sum3A_242 = vector.multi_reduction <add>, %mul3A_240, %reduce_sum3A_241 [1] : vector<1024x32xf32> to vector<1024xf32>
    %broadcast_in_dim3A_243 = vector.shape_cast %reduce_sum3A_242 : vector<1024xf32> to vector<1x1024xf32>
    %add3A_244 = vector.broadcast %broadcast_in_dim3A : vector<1024x1xf32> to vector<1024x1024xf32>
    %add3A_245 = vector.broadcast %broadcast_in_dim3A_243 : vector<1x1024xf32> to vector<1024x1024xf32>
    %add3A_246 = arith.addf %add3A_244, %add3A_245 : vector<1024x1024xf32>
    %mul3A_247 = arith.constant 2.000000e+00 : f32
    %mul3A_248 = vector.broadcast %mul3A_247 : f32 to vector<1024x1024xf32>
    %mul3A_249 = arith.mulf %mul3A_248, %dot_general3A_239 : vector<1024x1024xf32>
    %sub3A_250 = arith.subf %add3A_246, %mul3A_249 : vector<1024x1024xf32>
    %reduce_min3A_251 = arith.constant dense<0x7F800000> : vector<1024xf32>
    %reduce_min3A_252 = vector.multi_reduction <minimumf>, %sub3A_250, %reduce_min3A_251 [1] : vector<1024x1024xf32> to vector<1024xf32>
    %broadcast_in_dim3A_253 = vector.shape_cast %reduce_min3A_252 : vector<1024xf32> to vector<1024x1xf32>
    %eq3A_254 = vector.broadcast %broadcast_in_dim3A_253 : vector<1024x1xf32> to vector<1024x1024xf32>
    %eq3A_255 = arith.cmpf oeq, %sub3A_250, %eq3A_254 : vector<1024x1024xf32>
    %jit3A_256 = arith.constant 1.000000e+09 : f32
    %broadcast_in_dim3A_257 = vector.broadcast %jit3A_256 : f32 to vector<1024x1024xf32>
    %select_n3A_258 = arith.select %eq3A_255, %convert_element_type3A, %broadcast_in_dim3A_257 : vector<1024x1024xi1>, vector<1024x1024xf32>
    %reduce_min3A_259 = arith.constant dense<0x7F800000> : vector<1024xf32>
    %reduce_min3A_260 = vector.multi_reduction <minimumf>, %select_n3A_258, %reduce_min3A_259 [1] : vector<1024x1024xf32> to vector<1024xf32>
    %add3A_261 = arith.constant 7.168000e+03 : f32
    %add3A_262 = vector.broadcast %add3A_261 : f32 to vector<1024xf32>
    %add3A_263 = arith.addf %reduce_min3A_260, %add3A_262 : vector<1024xf32>
    %lt3A_264 = arith.cmpf olt, %reduce_min3A_252, %select_n3A_233 : vector<1024xf32>
    %select_n3A_265 = arith.select %lt3A_264, %reduce_min3A_252, %select_n3A_233 : vector<1024xi1>, vector<1024xf32>
    %select_n3A_266 = arith.select %lt3A_264, %add3A_263, %select_n3A_234 : vector<1024xi1>, vector<1024xf32>
    %convert_element_type3A_267 = arith.fptosi %select_n3A_266 : vector<1024xf32> to vector<1024xi32>
    %swap3A = arith.constant 0 : index
    %swap3A_268 = arith.constant 0 : index
    %swap3A_269 = arith.constant 0 : index
    %swap3A_270 = vector.load %arg7[%swap3A, %swap3A_268, %swap3A_269] : memref<1x1x1024xi32, #tpu.memory_space<vmem>>, vector<1x1x1024xi32>
    %swap3A_271 = vector.shape_cast %swap3A_270 : vector<1x1x1024xi32> to vector<1024xi32>
    %swap3A_272 = vector.shape_cast %convert_element_type3A_267 : vector<1024xi32> to vector<1x1x1024xi32>
    tpu.vector_store %arg7[%swap3A, %swap3A_268, %swap3A_269], %swap3A_272 {strides = array<i32>} : memref<1x1x1024xi32, #tpu.memory_space<vmem>>, vector<1x1x1024xi32>,
    %eq3A_273 = arith.constant 0 : i32
    %eq3A_274 = arith.cmpi eq, %arg0, %eq3A_273 : i32
    %convert_element_type3A_275 = arith.extui %eq3A_274 : i1 to i32
    %cond3A = arith.constant 0 : i32
    %cond3A_276 = arith.cmpi ne, %convert_element_type3A_275, %cond3A : i32
    scf.if %cond3A_276 {
      %get3A_299 = arith.constant 0 : index
      %get3A_300 = arith.constant 0 : index
      %get3A_301 = vector.load %arg2[%get3A_299, %get3A_300] : memref<8192x32xf32, #tpu.memory_space<vmem>>, vector<8192x32xf32>
      %get3A_302 = arith.constant 0 : index
      %get3A_303 = arith.constant 0 : index
      %get3A_304 = vector.load %arg5[%get3A_302, %get3A_303] : memref<32x128xf32, #tpu.memory_space<vmem>>, vector<32x128xf32>
      %dot_general3A_305 = arith.constant dense<0.000000e+00> : vector<8192x128xf32>
      %dot_general3A_306 = tpu.matmul %get3A_301, %get3A_304, %dot_general3A_305 {dimension_numbers = #tpu.dot_dimension_numbers<[1], [0], [0], [1], [0, 0, 1, 1], [], []>, transpose_lhs_hint = false} : vector<8192x32xf32>, vector<32x128xf32>, vector<8192x128xf32> -> vector<8192x128xf32>
      %get3A_307 = arith.constant 0 : index
      %get3A_308 = arith.constant 0 : index
      %get3A_309 = vector.load %arg6[%get3A_307, %get3A_308] : memref<1x128xf32, #tpu.memory_space<vmem>>, vector<1x128xf32>
      %add3A_310 = vector.broadcast %get3A_309 : vector<1x128xf32> to vector<8192x128xf32>
      %add3A_311 = arith.addf %dot_general3A_306, %add3A_310 : vector<8192x128xf32>
      %swap3A_312 = arith.constant 0 : index
      %swap3A_313 = arith.constant 0 : index
      %swap3A_314 = vector.load %arg8[%swap3A_312, %swap3A_313] : memref<8192x128xf32, #tpu.memory_space<vmem>>, vector<8192x128xf32>
      tpu.vector_store %arg8[%swap3A_312, %swap3A_313], %add3A_311 {strides = array<i32>} : memref<8192x128xf32, #tpu.memory_space<vmem>>, vector<8192x128xf32>,
    } else {
    }
    %reduce_sum3A_277 = vector.shape_cast %select_n3A_265 : vector<1024xf32> to vector<1x1024xf32>
    %reduce_sum3A_278 = arith.constant dense<0.000000e+00> : vector<1xf32>
    %reduce_sum3A_279 = vector.multi_reduction <add>, %reduce_sum3A_277, %reduce_sum3A_278 [1] : vector<1x1024xf32> to vector<1xf32>
    %reduce_sum3A_280 = vector.shape_cast %reduce_sum3A_279 : vector<1xf32> to vector<1x1xf32>
    %reduce_sum3A_281 = vector.extract %reduce_sum3A_280[0, 0] : f32 from vector<1x1xf32>
    %reshape3A = vector.broadcast %reduce_sum3A_281 : f32 to vector<1x1xf32>
    %eq3A_282 = arith.constant 0 : i32
    %eq3A_283 = arith.cmpi eq, %arg0, %eq3A_282 : i32
    %convert_element_type3A_284 = arith.extui %eq3A_283 : i1 to i32
    %cond3A_285 = arith.constant 0 : i32
    %cond3A_286 = arith.cmpi ne, %convert_element_type3A_284, %cond3A_285 : i32
    scf.if %cond3A_286 {
      %broadcast_in_dim3A_299 = arith.constant 0.000000e+00 : f32
      %broadcast_in_dim3A_300 = vector.broadcast %broadcast_in_dim3A_299 : f32 to vector<1x1xf32>
      %swap3A_301 = arith.constant 0 : index
      %swap3A_302 = arith.constant 0 : index
      %swap3A_303 = vector.load %arg9[%swap3A_301, %swap3A_302] : memref<1x1xf32, #tpu.memory_space<vmem>>, vector<1x1xf32>
      tpu.vector_store %arg9[%swap3A_301, %swap3A_302], %broadcast_in_dim3A_300 {strides = array<i32>} : memref<1x1xf32, #tpu.memory_space<vmem>>, vector<1x1xf32>,
    } else {
    }
    %get3A_287 = arith.constant 0 : index
    %get3A_288 = arith.constant 0 : index
    %get3A_289 = vector.load %arg9[%get3A_287, %get3A_288] : memref<1x1xf32, #tpu.memory_space<vmem>>, vector<1x1xf32>
    %add3A_290 = arith.addf %get3A_289, %reshape3A : vector<1x1xf32>
    %swap3A_291 = arith.constant 0 : index
    %swap3A_292 = arith.constant 0 : index
    %swap3A_293 = vector.load %arg9[%swap3A_291, %swap3A_292] : memref<1x1xf32, #tpu.memory_space<vmem>>, vector<1x1xf32>
    tpu.vector_store %arg9[%swap3A_291, %swap3A_292], %add3A_290 {strides = array<i32>} : memref<1x1xf32, #tpu.memory_space<vmem>>, vector<1x1xf32>,
    %eq3A_294 = arith.constant 7 : i32
    %eq3A_295 = arith.cmpi eq, %arg0, %eq3A_294 : i32
    %convert_element_type3A_296 = arith.extui %eq3A_295 : i1 to i32
    %cond3A_297 = arith.constant 0 : i32
    %cond3A_298 = arith.cmpi ne, %convert_element_type3A_296, %cond3A_297 : i32
    scf.if %cond3A_298 {
      %get3A_299 = arith.constant 0 : index
      %get3A_300 = arith.constant 0 : index
      %get3A_301 = vector.load %arg9[%get3A_299, %get3A_300] : memref<1x1xf32, #tpu.memory_space<vmem>>, vector<1x1xf32>
      %mul3A_302 = arith.constant 3.81469727E-6 : f32
      %mul3A_303 = vector.broadcast %mul3A_302 : f32 to vector<1x1xf32>
      %mul3A_304 = arith.mulf %get3A_301, %mul3A_303 : vector<1x1xf32>
      %swap3A_305 = arith.constant 0 : index
      %swap3A_306 = arith.constant 0 : index
      %swap3A_307 = vector.load %arg9[%swap3A_305, %swap3A_306] : memref<1x1xf32, #tpu.memory_space<vmem>>, vector<1x1xf32>
      tpu.vector_store %arg9[%swap3A_305, %swap3A_306], %mul3A_304 {strides = array<i32>} : memref<1x1xf32, #tpu.memory_space<vmem>>, vector<1x1xf32>,
    } else {
    }
    return
  }
  func.func @transform_0(%arg0: i32) -> (i32, i32, i32) {
    %c0_i32 = arith.constant 0 : i32
    %c0_i32_0 = arith.constant 0 : i32
    %c0_i32_1 = arith.constant 0 : i32
    return %arg0, %c0_i32, %c0_i32_0 : i32, i32, i32
  }
  func.func @transform_1(%arg0: i32) -> (i32, i32) {
    %c0_i32 = arith.constant 0 : i32
    %c0_i32_0 = arith.constant 0 : i32
    %c0_i32_1 = arith.constant 0 : i32
    return %c0_i32, %c0_i32_0 : i32, i32
  }
  func.func @transform_2(%arg0: i32) -> (i32, i32) {
    %c0_i32 = arith.constant 0 : i32
    %c0_i32_0 = arith.constant 0 : i32
    %c0_i32_1 = arith.constant 0 : i32
    return %c0_i32, %c0_i32_0 : i32, i32
  }
  func.func @transform_3(%arg0: i32) -> (i32, i32) {
    %c0_i32 = arith.constant 0 : i32
    %c0_i32_0 = arith.constant 0 : i32
    %c0_i32_1 = arith.constant 0 : i32
    return %c0_i32, %c0_i32_0 : i32, i32
  }
  func.func @transform_4(%arg0: i32) -> (i32, i32) {
    %c0_i32 = arith.constant 0 : i32
    %c0_i32_0 = arith.constant 0 : i32
    %c0_i32_1 = arith.constant 0 : i32
    return %c0_i32, %c0_i32_0 : i32, i32
  }
  func.func @transform_5(%arg0: i32) -> (i32, i32) {
    %c0_i32 = arith.constant 0 : i32
    %c0_i32_0 = arith.constant 0 : i32
    %c0_i32_1 = arith.constant 0 : i32
    return %c0_i32, %c0_i32_0 : i32, i32
  }
  func.func @transform_6(%arg0: i32) -> (i32, i32, i32) {
    %c0_i32 = arith.constant 0 : i32
    %c0_i32_0 = arith.constant 0 : i32
    %c0_i32_1 = arith.constant 0 : i32
    return %arg0, %c0_i32, %c0_i32_0 : i32, i32, i32
  }
  func.func @transform_7(%arg0: i32) -> (i32, i32) {
    %c0_i32 = arith.constant 0 : i32
    %c0_i32_0 = arith.constant 0 : i32
    %c0_i32_1 = arith.constant 0 : i32
    return %c0_i32, %c0_i32_0 : i32, i32
  }
  func.func @transform_8(%arg0: i32) -> (i32, i32) {
    %c0_i32 = arith.constant 0 : i32
    %c0_i32_0 = arith.constant 0 : i32
    %c0_i32_1 = arith.constant 0 : i32
    return %c0_i32, %c0_i32_0 : i32, i32
  }
}

</mosaic_0001>

<sc_bundles>
// kernel: kernel.4.cloned.1.call-start
scs
__scs_entry_jumppad:
0x0: {  	(pc) =	sbr.rel $0x88, $3  }
0x1: {  	(tag) =	ssettag $0x0;
	lr =	simm.s32 $0x1  }
0x2: {  	[smem:$0x3F9B] =	sst lr;
	_ =	strace $0xD0000000  }
0x3: {  	_ = 	snop  }
0x4: {  	_ = 	snop  }
0x5: {  	_ = 	snop  }
0x6: {  	_ = 	snop  }
0x7: {  	_ = 	snop  }
__scs_overlays_trampoline_lowered:
0x8: {  	[smem:$0x3FAA] =	sst s0  }
0x9: {  	[smem:$0x3FAB] =	sst s1  }
0xa: {  	[smem:$0x3FAC] =	sst s2  }
0xb: {  	[smem:$0x3FAD] =	sst s3  }
0xc: {  	[smem:$0x3FAE] =	sst s4  }
0xd: {  	[smem:$0x3FAF] =	sst s5  }
0xe: {  	[smem:$0x3FB0] =	sst s6  }
0xf: {  	[smem:$0x3FB1] =	sst s7  }
0x10: {  	[smem:$0x3FB2] =	sst s8  }
0x11: {  	[smem:$0x3FB3] =	sst s9;
	s0 =	simm.s32 @!p0 $0x0  }
0x12: {  	s1 =	sld [smem:$0x3F99];
	s0 =	simm.s32 @p0 $0x1  }
0x13: {  	[smem:$0x3FB4] =	sst s0;
	s0 =	simm.s32 @!p1 $0x0  }
0x14: {  	s2 =	sld [smem:$0x3F98];
	s0 =	simm.s32 @p1 $0x1  }
0x15: {  	[smem:$0x3FB5] =	sst s0;
	s0 =	simm.s32 @!p2 $0x0  }
0x16: {  	s3 =	sld [smem:$0x3FDB];
	s0 =	simm.s32 @p2 $0x1  }
0x17: {  	s4 =	simm.s32 $0x1BF5;
	[smem:$0x3FB7] =	sst s0  }
0x18: {  	s0 =	sld [smem:$0x3F9A];
	_ =	swait.ge [sflag:s4], $0x0  }
0x19: {  	s7 =	sld [smem:$0x3F9B]  }
0x1a: {  	s8 =	sadd.s32 $0xFFFFE003, lr  }
0x1b: {  	s9 =	sadd.s32 $0xFFFFFEF7, lr;
	s5 =	simm.s32 $0xFFFFFFFF;
	p2 =	slt.u32 s8, $0xFFFFF086  }
0x1c: {  	p1 =	slt.u32 s9, $0xF7A;
	s5 =	simm.s32 @!p2 $0x0  }
0x1d: {  	s5 =	simm.s32 @p1 $0x1;
	p0 =	seq.s32 s7, s2  }
0x1e: {  	s7 =	smul.u32 @!p0 $0xF7A, s2;
	p2 =	seq.s32 @!p0 s5, $0x0  }
0x1f: {  	s9 =	smul.u32 $0xF7A, s1;
	s8 =	simm.s32 @!p0 $0x1BF5;
	p2 =	por !p2, p0  }
0x20: {  	[sflag:s8] =	ssyncset.s32 @!p0 $0xFFFFF086;
	s6 =	sadd.s32 @!p0 s3, s7;
	s7 =	simm.s32 @!p0 $0x108  }
0x21: {  	s3 =	sadd.s32 s3, s9;
	s6 =	sadd.s32 @!p0 $0x88, s6;
	s7 =	simm.s32 @p2 $0x1082  }
0x22: {  	[simem:s7], [sflag:s8] =	dma.local @!p0 [hbm:s6], $0xF7A  }
0x23: {  	s9 =	sor.u32 $0xD0000000, s2;
	s6 =	simm.s32 $0x108;
	_ =	swait.ge @!p0 [sflag:s8], $0x0  }
0x24: {  	s3 =	sadd.s32 $0x88, s3;
	s6 =	simm.s32 @!p1 $0x1082;
	[sflag:s4] =	ssyncset.s32 $0xFFFFF086  }
0x25: {  	[simem:s6], [sflag:s4] =	dma.local [hbm:s3], $0xF7A  }
0x26: {  	[smem:$0x3F9B] =	sst s1;
	(tag) =	ssettag s2;
	_ =	strace s9  }
0x27: {  	s1 =	sld [smem:$0x3FAB]  }
0x28: {  	s2 =	sld [smem:$0x3FAC]  }
0x29: {  	s4 =	sld [smem:$0x3FAE]  }
0x2a: {  	p0 =	seq.s32 s5, $0x0;
	s5 =	sld [smem:$0x3FAF]  }
0x2b: {  	s6 =	sld [smem:$0x3FB0]  }
0x2c: {  	s7 =	sld [smem:$0x3FB1]  }
0x2d: {  	s3 =	simm.s32 $0x108;
	s8 =	sld [smem:$0x3FB2]  }
0x2e: {  	s3 =	simm.s32 @!p0 $0x1082;
	s9 =	sld [smem:$0x3FB3]  }
0x2f: {  	lr =	sadd.s32 s0, s3;
	s0 =	sld [smem:$0x3FAA]  }
0x30: {  	s3 =	sld [smem:$0x3FAD]  }
0x31: {  	[smem:$0x3FB6] =	sst s10  }
0x32: {  	s10 =	sld [smem:$0x3FB4];
	_ =	sdelay $0x3  }
0x33: {  	p0 =	seq.s32 s10, $0x1;
	s10 =	sld [smem:$0x3FB6];
	_ =	sdelay $0x3  }
0x34: {  	[smem:$0x3FB6] =	sst s10  }
0x35: {  	s10 =	sld [smem:$0x3FB5];
	_ =	sdelay $0x3  }
0x36: {  	p1 =	seq.s32 s10, $0x1;
	s10 =	sld [smem:$0x3FB6];
	_ =	sdelay $0x3  }
0x37: {  	[smem:$0x3FB6] =	sst s10  }
0x38: {  	s10 =	sld [smem:$0x3FB7]  }
0x39: {  	_ = 	snop;
	(pc) =	sbr.ind lr, $3  }
0x3a: {  	_ = 	snop  }
0x3b: {  	_ = 	snop  }
0x3c: {  	p2 =	seq.s32 s10, $0x1;
	s10 =	sld [smem:$0x3FB6]  }
0x3d: {  	_ =	shalt  }
0x3e: {  	_ =	shalt  }
0x3f: {  	_ =	shalt  }
0x40: {  	_ =	shalt  }
0x41: {  	_ =	shalt  }
0x42: {  	_ =	shalt  }
0x43: {  	_ =	shalt  }
0x44: {  	_ =	shalt  }
0x45: {  	_ =	shalt  }
0x46: {  	_ =	shalt  }
0x47: {  	_ =	shalt  }
0x48: {  	_ =	shalt  }
0x49: {  	_ =	shalt  }
0x4a: {  	_ =	shalt  }
0x4b: {  	_ =	shalt  }
0x4c: {  	_ =	shalt  }
0x4d: {  	_ =	shalt  }
0x4e: {  	_ =	shalt  }
0x4f: {  	_ =	shalt  }
0x50: {  	_ =	shalt  }
0x51: {  	_ =	shalt  }
0x52: {  	_ =	shalt  }
0x53: {  	_ =	shalt  }
0x54: {  	_ =	shalt  }
0x55: {  	_ =	shalt  }
0x56: {  	_ =	shalt  }
0x57: {  	_ =	shalt  }
0x58: {  	_ =	shalt  }
0x59: {  	_ =	shalt  }
0x5a: {  	_ =	shalt  }
0x5b: {  	_ =	shalt  }
0x5c: {  	_ =	shalt  }
0x5d: {  	_ =	shalt  }
0x5e: {  	_ =	shalt  }
0x5f: {  	_ =	shalt  }
0x60: {  	_ =	shalt  }
0x61: {  	_ =	shalt  }
0x62: {  	_ =	shalt  }
0x63: {  	_ =	shalt  }
0x64: {  	_ =	shalt  }
0x65: {  	_ =	shalt  }
0x66: {  	_ =	shalt  }
0x67: {  	_ =	shalt  }
0x68: {  	_ =	shalt  }
0x69: {  	_ =	shalt  }
0x6a: {  	_ =	shalt  }
0x6b: {  	_ =	shalt  }
0x6c: {  	_ =	shalt  }
0x6d: {  	_ =	shalt  }
0x6e: {  	_ =	shalt  }
0x6f: {  	_ =	shalt  }
0x70: {  	_ =	shalt  }
0x71: {  	_ =	shalt  }
0x72: {  	_ =	shalt  }
0x73: {  	_ =	shalt  }
0x74: {  	_ =	shalt  }
0x75: {  	_ =	shalt  }
0x76: {  	_ =	shalt  }
0x77: {  	_ =	shalt  }
0x78: {  	_ =	shalt  }
0x79: {  	_ =	shalt  }
0x7a: {  	_ =	shalt  }
0x7b: {  	_ =	shalt  }
0x7c: {  	_ =	shalt  }
0x7d: {  	_ =	shalt  }
0x7e: {  	_ =	shalt  }
0x7f: {  	_ =	shalt  }
0x80: {  	_ =	shalt  }
0x81: {  	_ =	shalt  }
0x82: {  	_ =	shalt  }
0x83: {  	_ =	shalt  }
0x84: {  	_ =	shalt  }
0x85: {  	_ =	shalt  }
0x86: {  	_ =	shalt  }
0x87: {  	_ =	shalt  }
.Lfunc_end0:
.L_simem_size_0:
called_computation_lowered:
.L_overlay_start_0:
0x88: {  	s2 =	sld [smem:$0x3FD9]  }
0x89: {  	s3 =	sld [smem:$0x3FFE];
	_ =	sdelay $0x1  }
0x8a: {  	s1 =	srdreg.scid  }
0x8b: {  	s0 =	sand.u32 $0x1, s1  }
0x8c: {  	s14 =	sshll.u32 s0, $0xA;
	s2 =	sadd.s32 s3, s2  }
0x8d: {  	s2 =	sadd.s32 s2, s14  }
0x8e: {  	[smem:$0x3FC2] =	sst s2  }
0x8f: {  	_ = 	snop  }
0x90: {  	s2 =	sld [smem:$0x3FD0];
	_ =	sdelay $0x2  }
0x91: {  	s15 =	simm.s32 $0xA;
	s4 =	simm.s32 $0x10  }
0x92: {  	[smem:s4], [sflag:s15] =	dma.local [hbm:s2], $0x1  }
0x93: {  	_ =	swait.eq [sflag:s15], $0x1  }
0x94: {  	[sflag:s15] =	ssyncset.done $0x0  }
0x95: {  	[sflag:s15] =	ssyncadd.s32 $0xFFFFFFFF  }
0x96: {  	s16 =	sld [smem:$0x10];
	(tm) =	ssettm $0x1  }
0x97: {  	s17 =	sld [smem:$0x3FFB];
	_ =	sdelay $0x3  }
0x98: {  	_ =	strace s17  }
0x99: {  	s3 =	sld [smem:$0x3FFC];
	_ =	sdelay $0x3  }
0x9a: {  	_ =	strace s3  }
0x9b: {  	s3 =	sld [smem:$0x3FFD];
	_ =	sdelay $0x3  }
0x9c: {  	_ =	strace s3  }
0x9d: {  	_ =	strace $0x8FFFFFFF  }
0x9e: {  	s18 =	sld [smem:$0x3FDB];
	_ =	sdelay $0x1  }
0x9f: {  	s19 =	simm.s32 $_scs_section_size  }
0xa0: {  	s5 =	simm.s32 $_size__tile_overlayer_lowered;
	s6 =	simm.s32 $_tile_overlayer_lowered  }
0xa1: {  	s22 =	simm.s32 $0x1BFF;
	s21 =	sshll.u32 s6, $0x1;
	s3 =	sadd.s32 s19, s18  }
0xa2: {  	s7 =	simm.s32 $0x0;
	s20 =	sshll.u32 s5, $0x1;
	s5 =	sadd.s32 s21, s3  }
0xa3: {  	[timem:s7], [sflag:s22] =	dma.local [hbm:s5], s20  }
0xa4: {  	_ =	swait.ge [sflag:s22], s20  }
0xa5: {  	s4 =	ssub.s32 $0x0, s20;
	[sflag:s22] =	ssyncset.done $0x0  }
0xa6: {  	[sflag:s22] =	ssyncadd.s32 s4;
	_ =	sdelay $0x1  }
0xa7: {  	s23 =	simm.s32 $0x1B8B  }
0xa8: {  	_ =	swait.ge [sflag:s23], $0x1  }
0xa9: {  	[sflag:s23] =	ssyncset.done $0x0  }
0xaa: {  	s25 =	simm.s32 $0x1B8E;
	s24 =	sld [smem:$0x3FFE];
	[sflag:s23] =	ssyncadd.s32 $0xFFFFFFFF  }
0xab: {  	s26 =	simm.s32 $execute0_lowered;
	[smem:$0x3FD2] =	sst s25  }
0xac: {  	s5 =	sshll.u32 s26, $0x1;
	_ =	strace $0x80000046;
	[dreg:$0x1] =	wrdreg $0xFFFFFFFF  }
0xad: {  	s28 =	simm.s32 $_size_execute0_lowered;
	s3 =	sadd.s32 s3, s5;
	[dreg:$0x0] =	wrdreg $0x0  }
0xae: {  	s5 =	sshll.u32 s28, $0x1;
	[dreg:$0x2] =	wrdreg s3  }
0xaf: {  	[dreg:$0x3] =	wrdreg s5  }
0xb0: {  	[dreg:$0x4] =	wrdreg $0xC0  }
0xb1: {  	_ =	task [dreg:s7], $0x5FFFF  }
0xb2: {  	[dreg:$0x1] =	wrdreg $0xFFFFFFFF  }
0xb3: {  	[dreg:$0x0] =	wrdreg $0x60  }
0xb4: {  	[dreg:$0x2] =	wrdreg s24  }
0xb5: {  	[dreg:$0x3] =	wrdreg s16  }
0xb6: {  	[dreg:$0x4] =	wrdreg $0x81000  }
0xb7: {  	[dreg:$0x5] =	wrdreg $0x9  }
0xb8: {  	_ =	task.clear_ibuf [dreg:s7], $0x6FFFF;
	_ =	strace $0x90000046  }
0xb9: {  	s29 =	simm.s32 $0x9;
	_ =	strace $0x80000048  }
0xba: {  	_ =	swait.ge [sflag:s29], $0x1  }
0xbb: {  	[sflag:s29] =	ssyncadd.s32 $0xFFFFFFFF  }
0xbc: {  	_ =	strace $0x90000048  }
0xbd: {  	_ =	sfence  }
0xbe: {  	s30 =	sld [smem:$0x0];
	_ =	sdelay $0x2  }
0xbf: {  	s31 =	sshll.u32 s1, $0xD;
	s1 =	sshrl.u32 s1, $0x2  }
0xc0: {  	s3 =	sand.u32 $0x4000, s31;
	s1 =	sadd.s32 s1, s30  }
0xc1: {  	s0 =	sor.u32 s3, s0;
	s1 =	sshll.u32 s1, $0x11  }
0xc2: {  	s0 =	sor.u32 s1, s0  }
0xc3: {  	s0 =	sadd.s32 $0x8F2B, s0  }
0xc4: {  	[sflag:s0] =	ssyncadd.remote.s32 $0x1  }
0xc5: {  	_ =	sfence.sel $0xFFFF  }
0xc6: {  	[dreg:$0x0] =	wrdreg $0xFFFFFFFF;
	(pc) =	sbr.abs _section_cstart, $3  }
0xc7: {  	[dreg:$0x1] =	wrdreg $0xFFFFFFFF  }
0xc8: {  	_ =	task.clear_ibuf [dreg:s7], $0x2FFFF;
	_ =	strace $0x9FFFFFFF  }
0xc9: {  	(tm) =	ssettm $0x7FFFFFFF  }
tec
execute0_lowered:
.L_overlay_start_1:
0x0: {  	(tag) =	ssettag $0x1  }
0x1: {  	s8 =	rddreg [dreg:$0x0]  }
0x2: {  	s11 =	rddreg [dreg:$0x1]  }
0x3: {  	s1 =	rddreg [dreg:$0x2]  }
0x4: {  	s0 =	rddreg [dreg:$0x3]  }
0x5: {  	s3 =	simm.s32 $0x0;
	s4 =	srdreg.scid;
	s2 =	stileid.u32  }
0x6: {  	[smem:$0x7FF] =	sst s3;
	s9 =	sand.u32 $0x1, s4;
	s25 =	sshll.u32 s2, $0x9  }
0x7: {  	s6 =	sshll.u32 s2, $0xD;
	s28 =	sshll.u32 s2, $0x10;
	s30 =	sshll.u32 s2, $0x6  }
0x8: {  	_ =	strace $0x80000047;
	s5 =	sshll.u32 s9, $0x8;
	s26 =	sadd.s32 s6, s8  }
0x9: {  	s29 =	sadd.s32 s28, s1;
	s6 =	simm.s32 $0x2;
	s12 =	sor.u32 s5, s25  }
0xa: {  	s4 =	sadd.s32 $0x1200, s26;
	s5 =	sor.u32 $0x1C02, s30;
	s7 =	sshrl.u32 s29, $0x3  }
0xb: {  	[spmem:s7], [sflag:s5] =	dma.local [hbm:s4], $0x2000  }
0xc: {  	s10 =	sshrl.u32 s12, $0x3;
	_ =	swait.ge [sflag:s6], $0x2000  }
0xd: {  	s8 =	sadd.s32 s10, s8;
	[sflag:s6] =	ssyncset.done $0x0  }
0xe: {  	s8 =	sadd.s32 $0x21200, s8;
	[sflag:s6] =	ssyncadd.s32 $0xFFFFE000  }
0xf: {  	[tilespmem:s3], [sflag:$0x2] =	stream.linear.gather [hbm4b:s8+s3], $0x100, $0x38;
	[tilespmem:$0x18100] =	vst v63  }
0x10: {  	s13 =	ssub.s32 $0x2, s9;
	_ =	swait.ge [sflag:s6], $0x100  }
0x11: {  	s14 =	sshrl.u32 s13, $0x1;
	[sflag:s6] =	ssyncset.done $0x0  }
0x12: {  	s9 =	simm.s32 $0x100;
	s13 =	ssub.s32 s13, s14;
	[sflag:s6] =	ssyncadd.s32 $0xFFFFFF00  }
0x13: {  	s10 =	simm.s32 $0x1;
	s31 =	smax.u32 s13, $0x1;
	[bflag:$0x0] =	sbarrier.arrive $0xFFFF  }
0x14: {  	[tilespmem:s9], [sflag:$0x1] =	stream.indirect.gather [spmem:s1], $0x80, s3, s9, $0xb8;
	[tilespmem:$0x18100] =	vst v63  }
0x15: {  	p0 =	sne.s32 s31, $0x1;
	_ =	swait.ge [sflag:s10], $0x8000  }
.Ltmp0:
0x16: {  	s12 =	sshll.u32 s12, $0x4;
	[sflag:s10] =	ssyncset.done $0x0;
	(pc) =	sbr.rel @!p0 .LBB2_2-.Ltmp0, $4  }
0x17: {  	s11 =	sadd.s32 s11, s12;
	[sflag:s10] =	ssyncadd.s32 $0xFFFF8000  }
0x18: {  	[hbm4b:s11+s3] =	stream.linear.scatter [tilespmem:s9], [sflag:$0x2], $0x8000, $0x38;
	[tilespmem:$0x18100] =	vst v63  }
0x19: {  	_ =	swait.ge [sflag:s6], $0x8000  }
0x1a: {  	s12 =	sadd.s32 $0xFFFFFFFF, s31;
	[sflag:s6] =	ssyncset.done $0x0  }
.LBB2_1:
0x1b: {  	p0 =	sne.s32 s12, $0x1;
	s12 =	sadd.s32 $0xFFFFFFFF, s12;
	[sflag:s6] =	ssyncadd.s32 $0xFFFF8000  }
0x1c: {  	[spmem:s7], [sflag:s5] =	dma.local [hbm:s4], $0x2000  }
0x1d: {  	_ =	swait.ge [sflag:s6], $0x2000  }
0x1e: {  	[sflag:s6] =	ssyncset.done $0x0  }
0x1f: {  	[sflag:s6] =	ssyncadd.s32 $0xFFFFE000  }
0x20: {  	[tilespmem:s3], [sflag:$0x2] =	stream.linear.gather [hbm4b:s8+s3], $0x100, $0x38;
	[tilespmem:$0x18100] =	vst v63  }
0x21: {  	_ =	swait.ge [sflag:s6], $0x100  }
0x22: {  	[sflag:s6] =	ssyncset.done $0x0  }
0x23: {  	[sflag:s6] =	ssyncadd.s32 $0xFFFFFF00  }
0x24: {  	[bflag:$0x0] =	sbarrier.arrive $0xFFFF  }
0x25: {  	[tilespmem:s9], [sflag:$0x1] =	stream.indirect.gather [spmem:s1], $0x80, s3, s9, $0xb8;
	[tilespmem:$0x18100] =	vst v63  }
0x26: {  	_ =	swait.ge [sflag:s10], $0x8000  }
.Ltmp1:
0x27: {  	[sflag:s10] =	ssyncset.done $0x0;
	(pc) =	sbr.rel @p0 .LBB2_1-.Ltmp1, $4  }
0x28: {  	[sflag:s10] =	ssyncadd.s32 $0xFFFF8000  }
0x29: {  	[hbm4b:s11+s3] =	stream.linear.scatter [tilespmem:s9], [sflag:$0x2], $0x8000, $0x38;
	[tilespmem:$0x18100] =	vst v63  }
0x2a: {  	_ =	swait.ge [sflag:s6], $0x8000  }
0x2b: {  	[sflag:s6] =	ssyncset.done $0x0  }
.LBB2_2:
0x2c: {  	[sflag:s6] =	ssyncadd.s32 $0xFFFF8000  }
0x2d: {  	_ =	sfence.sel $0x180000  }
0x2e: {  	[bflag:$0x0] =	sbarrier.arrive $0xFFFF  }
0x2f: {  	p0 =	sne.s32 s2, $0x0;
	_ =	strace $0x90000047  }
0x30: {  	s0 =	sadd.s32 @!p0 $0x100000, s0;
	[bflag:$0x2] =	sbarrier.arrive $0xFFFF  }
0x31: {  	[sflag:s0] =	ssyncadd.tile.s32 @!p0 $0x1;
	_ =	shalt  }
.Lfunc_end2:
_tile_overlayer_lowered:
.L_overlay_start_2:
0x32: {  	(tag) =	ssettag $0x2  }
0x33: {  	s0 =	rddreg [dreg:$0x0];
	s2 =	stileid.u32  }
0x34: {  	s1 =	rddreg [dreg:$0x1];
	p0 =	sne.s32 s2, $0x0  }
0x35: {  	s3 =	rddreg [dreg:$0x2];
	[bflag:$0x3] =	sbarrier.arrive $0xFFFF;
	s2 =	simm.s32 @!p0 $0x1C02  }
0x36: {  	[timem:s3], [sflag:s2] =	dma.local @!p0 [hbm:s0], s1  }
0x37: {  	s0 =	simm.s32 @!p0 $0x2  }
0x38: {  	_ =	swait.ge @!p0 [sflag:s0], s1  }
0x39: {  	s1 =	ssub.s32 @!p0 $0x0, s1;
	[sflag:s0] =	ssyncset.done @!p0 $0x0  }
0x3a: {  	[sflag:s0] =	ssyncadd.s32 @!p0 s1  }
0x3b: {  	[bflag:$0x3] =	sbarrier.arrive $0xFFFF  }
0x3c: {  	_ =	shalt  }

</sc_bundles>
